<compile_context>
chip_gen: v7x
topology: tpu7x:2x2x1
jax: 0.10.2.dev20260603
libtpu: 0.0.44.dev20260713+nightly
codegen_flags: <defaults>
</compile_context>

<pallas_src>
import functools

import jax
import jax.numpy as jnp
from jax import lax
from jax.experimental import pallas as pl
from jax.experimental.pallas import tpu as pltpu
from jax.experimental.pallas import tpu_sc as plsc

D = 128
NUM_WORKERS = 32
CHUNK = 128



@functools.partial(jax.jit, static_argnames=("n_pad", "e_w"))
def _sc_agg(h, src, dst, zeros128, *, n_pad, e_w):
    n_chunks = e_w // CHUNK
    rows_per_tile = n_pad // 16
    mesh = plsc.VectorSubcoreMesh(core_axis_name="c", subcore_axis_name="s")

    @functools.partial(
        pl.kernel,
        mesh=mesh,
        out_type=jax.ShapeDtypeStruct((2, n_pad, D), jnp.float32),
        scratch_types=[
            pltpu.VMEM((CHUNK,), jnp.int32),
            pltpu.VMEM((CHUNK,), jnp.int32),
            pltpu.VMEM((CHUNK, D), jnp.float32),
            pltpu.VMEM_SHARED((n_pad, D), jnp.float32),
            pltpu.SemaphoreType.DMA,
        ],
    )
    def agg_kernel(h_hbm, src_hbm, dst_hbm, z_hbm, out_hbm,
                   src_v, dst_v, rows_v, acc, sem):
        c = lax.axis_index("c")
        s = lax.axis_index("s")
        w = s * 2 + c
        for j in range(rows_per_tile // 128):
            pltpu.sync_copy(z_hbm, acc.at[pl.ds(s * rows_per_tile + j * 128, 128)])
        plsc.subcore_barrier()
        base = w * e_w

        def body(k, carry):
            off = base + k * CHUNK
            pltpu.sync_copy(src_hbm.at[pl.ds(off, CHUNK)], src_v)
            pltpu.sync_copy(dst_hbm.at[pl.ds(off, CHUNK)], dst_v)
            pltpu.async_copy(h_hbm.at[src_v], rows_v, sem).wait()
            pltpu.sync_copy(rows_v, acc.at[dst_v], add=True)
            return carry

        lax.fori_loop(0, n_chunks, body, 0)
        plsc.subcore_barrier()
        for j in range(rows_per_tile // 128):
            r0 = s * rows_per_tile + j * 128
            pltpu.sync_copy(acc.at[pl.ds(r0, 128)], out_hbm.at[c, pl.ds(r0, 128)])

    return agg_kernel(h, src, dst, zeros128)



@jax.jit
def _sc_pool(h, batch_pad, zeros8, ones64):
    n_pad = h.shape[0]
    per_w = n_pad // NUM_WORKERS
    pchunk = 64
    n_chunks = per_w // pchunk
    mesh = plsc.VectorSubcoreMesh(core_axis_name="c", subcore_axis_name="s")

    @functools.partial(
        pl.kernel,
        mesh=mesh,
        out_type=(
            jax.ShapeDtypeStruct((2, 128, D), jnp.float32),
            jax.ShapeDtypeStruct((2, 128, D), jnp.float32),
        ),
        scratch_types=[
            pltpu.VMEM((pchunk,), jnp.int32),
            pltpu.VMEM((pchunk, D), jnp.float32),
            pltpu.VMEM((pchunk, D), jnp.float32),
            pltpu.VMEM_SHARED((128, D), jnp.float32),
            pltpu.VMEM_SHARED((128, D), jnp.float32),
        ],
    )
    def pool_kernel(h_hbm, b_hbm, z_hbm, ones_hbm, sums_hbm, cnt_hbm,
                    idx_v, rows_v, ones_v, acc_s, acc_c):
        c = lax.axis_index("c")
        s = lax.axis_index("s")
        w = s * 2 + c
        pltpu.sync_copy(z_hbm, acc_s.at[pl.ds(s * 8, 8)])
        pltpu.sync_copy(z_hbm, acc_c.at[pl.ds(s * 8, 8)])
        pltpu.sync_copy(ones_hbm, ones_v)
        plsc.subcore_barrier()
        base = w * per_w
        for k in range(n_chunks):
            off = base + k * pchunk
            pltpu.sync_copy(b_hbm.at[pl.ds(off, pchunk)], idx_v)
            pltpu.sync_copy(h_hbm.at[pl.ds(off, pchunk)], rows_v)
            pltpu.sync_copy(rows_v, acc_s.at[idx_v], add=True)
            pltpu.sync_copy(ones_v, acc_c.at[idx_v], add=True)
        plsc.subcore_barrier()
        pltpu.sync_copy(acc_s.at[pl.ds(s * 8, 8)], sums_hbm.at[c, pl.ds(s * 8, 8)])
        pltpu.sync_copy(acc_c.at[pl.ds(s * 8, 8)], cnt_hbm.at[c, pl.ds(s * 8, 8)])

    return pool_kernel(h, batch_pad, zeros8, ones64)



def _mlp_body(eps_ref, h_ref, p0_ref, p1_ref, w1_ref, b1_ref, w2_ref, b2_ref,
              out_ref):
    z = h_ref[...] * eps_ref[0] + p0_ref[...] + p1_ref[...]
    z = jnp.dot(z, w1_ref[...], preferred_element_type=jnp.float32) + b1_ref[...]
    z = jnp.maximum(z, 0.0)
    z = jnp.dot(z, w2_ref[...], preferred_element_type=jnp.float32) + b2_ref[...]
    out_ref[...] = jnp.maximum(z, 0.0)


def _tc_mlp(h, p0, p1, w1, b1, w2, b2, eps1, *, blk=1024):
    n_pad = h.shape[0]
    grid = (n_pad // blk,)
    row_spec = pl.BlockSpec((blk, D), lambda i: (i, 0))
    full = pl.BlockSpec((D, D), lambda i: (0, 0))
    bias = pl.BlockSpec((1, D), lambda i: (0, 0))
    return pl.pallas_call(
        _mlp_body,
        grid=grid,
        in_specs=[
            pl.BlockSpec(memory_space=pltpu.SMEM),
            row_spec, row_spec, row_spec, full, bias, full, bias,
        ],
        out_specs=row_spec,
        out_shape=jax.ShapeDtypeStruct((n_pad, D), jnp.float32),
    )(eps1, h, p0, p1, w1, b1, w2, b2)



def _head_body(sums_ref, cnt_ref, wh1_ref, bh1_ref, wh2_ref, bh2_ref, out_ref):
    sums = sums_ref[0] + sums_ref[1]
    cnt = cnt_ref[0] + cnt_ref[1]
    pooled = (sums / jnp.maximum(cnt, 1.0))[:64]
    t = jnp.dot(pooled, wh1_ref[...], preferred_element_type=jnp.float32)
    t = jnp.maximum(t + bh1_ref[...], 0.0)
    out_ref[...] = (
        jnp.dot(t, wh2_ref[...], preferred_element_type=jnp.float32) + bh2_ref[...]
    )


def _tc_head(sums, cnt, wh1, bh1, wh2, bh2, n_classes):
    return pl.pallas_call(
        _head_body,
        out_shape=jax.ShapeDtypeStruct((64, n_classes), jnp.float32),
    )(sums, cnt, wh1, bh1, wh2, bh2)



def kernel(x, edge_index, batch, W1s, b1s, gammas, betas, W2s, b2s, epss,
           Wh1, bh1, Wh2, bh2):
    n, _ = x.shape
    e = edge_index.shape[1]
    n_layers = W1s.shape[0]
    n_classes = Wh2.shape[1]

    n_pad = ((n + 1023) // 1024) * 1024
    e_w = ((e + NUM_WORKERS * CHUNK - 1) // (NUM_WORKERS * CHUNK)) * CHUNK
    e_pad = NUM_WORKERS * e_w

    h = jnp.pad(x, ((0, n_pad - n), (0, 0)))
    src = jnp.pad(edge_index[0], (0, e_pad - e))
    dst = jnp.pad(edge_index[1], (0, e_pad - e), constant_values=n)
    batch_pad = jnp.pad(batch, (0, n_pad - n), constant_values=64)

    zeros128 = jnp.zeros((128, D), jnp.float32)
    zeros8 = jnp.zeros((8, D), jnp.float32)
    ones64 = jnp.ones((64, D), jnp.float32)

    bn_scale = 1.0 / jnp.sqrt(1.0 + 1e-5)

    for i in range(n_layers):
        parts = _sc_agg(h, src, dst, zeros128, n_pad=n_pad, e_w=e_w)
        g = bn_scale * gammas[i]
        w1 = W1s[i] * g[None, :]
        b1 = (b1s[i] * g + betas[i]).reshape(1, D)
        eps1 = jnp.reshape(1.0 + epss[i], (1,))
        h = _tc_mlp(h, parts[0], parts[1], w1, b1, W2s[i],
                    b2s[i].reshape(1, D), eps1)

    sums_p, cnt_p = _sc_pool(h, batch_pad, zeros8, ones64)
    return _tc_head(sums_p, cnt_p, Wh1, bh1.reshape(1, -1), Wh2,
                    bh2.reshape(1, -1), n_classes)

# --- scband reference (transcript-rebuilt; emitter-appended) ---
"""Pipeline reference for scband-ginclassifier-78915729097082 (READ-ONLY COPY).

The authoritative reference and input builder live on the scoring server;
editing this copy changes nothing except your own understanding.
"""

import jax, jax.numpy as jnp
import numpy as np

N = 10000
E = 320000
D = 128
L = 3
G = 64
H = 64
C = 10


def setup_inputs(seed: int = 0) -> dict:
    key = jax.random.key(seed)
    ks = jax.random.split(key, 10)
    scale = 0.05
    x = jax.random.normal(ks[0], (N, D), dtype=jnp.float32)
    edge_index = jax.random.randint(ks[1], (2, E), 0, N, dtype=jnp.int32)
    batch = jnp.sort(jax.random.randint(ks[2], (N,), 0, G, dtype=jnp.int32))
    W1s = jax.random.normal(ks[3], (L, D, D), dtype=jnp.float32) * scale
    b1s = jnp.zeros((L, D), dtype=jnp.float32)
    gammas = jnp.ones((L, D), dtype=jnp.float32)
    betas = jnp.zeros((L, D), dtype=jnp.float32)
    W2s = jax.random.normal(ks[4], (L, D, D), dtype=jnp.float32) * scale
    b2s = jnp.zeros((L, D), dtype=jnp.float32)
    epss = jnp.zeros((L,), dtype=jnp.float32)
    Wh1 = jax.random.normal(ks[5], (D, H), dtype=jnp.float32) * scale
    bh1 = jnp.zeros((H,), dtype=jnp.float32)
    Wh2 = jax.random.normal(ks[6], (H, C), dtype=jnp.float32) * scale
    bh2 = jnp.zeros((C,), dtype=jnp.float32)
    return {
        'x': x, 'edge_index': edge_index, 'batch': batch,
        'W1s': W1s, 'b1s': b1s, 'gammas': gammas, 'betas': betas,
        'W2s': W2s, 'b2s': b2s, 'epss': epss,
        'Wh1': Wh1, 'bh1': bh1, 'Wh2': Wh2, 'bh2': bh2,
    }


def reference(x, edge_index, batch, W1s, b1s, gammas, betas, W2s, b2s, epss, Wh1, bh1, Wh2, bh2):
    # GINClassifier forward (eval mode: dropout off, BatchNorm uses running stats mean=0, var=1)
    src = edge_index[0]
    dst = edge_index[1]
    bn_eps = 1e-5
    h = x
    for i in range(L):
        # GINConv with sum aggregation: (1+eps)*x + sum_{j in N(i)} x_j, then MLP
        agg = jnp.zeros_like(h).at[dst].add(h[src])
        z = (1.0 + epss[i]) * h + agg
        z = z @ W1s[i] + b1s[i]
        # BatchNorm1d eval: (z - 0) / sqrt(1 + eps) * gamma + beta
        z = z / jnp.sqrt(1.0 + bn_eps) * gammas[i] + betas[i]
        z = jnp.maximum(z, 0.0)
        z = z @ W2s[i] + b2s[i]
        # outer relu after conv
        h = jnp.maximum(z, 0.0)
    # global_mean_pool over batch assignment
    sums = jax.ops.segment_sum(h, batch, num_segments=G)
    counts = jax.ops.segment_sum(jnp.ones((h.shape[0], 1), dtype=h.dtype), batch, num_segments=G)
    pooled = sums / jnp.clip(counts, 1.0)
    # MLP head (dropout p=0)
    out = jnp.maximum(pooled @ Wh1 + bh1, 0.0) @ Wh2 + bh2
    return out

if __name__ == "__main__":
    import jax
    _d = setup_inputs()
    print(jax.jit(kernel)(*tuple(_d.values())))

</pallas_src>

<mosaic_0001>
#map = affine_map<(d0, d1) -> (0, 0)>
#map1 = affine_map<(d0, d1) -> (0)>
#map2 = affine_map<(d0, d1) -> (0, 0, 0)>
module attributes {stable_mosaic.version = 14 : i64} {
  func.func @agg_kernel(%arg0: i32, %arg1: i32, %arg2: memref<10240x128xf32, #tpu.memory_space<hbm>>, %arg3: memref<323584xi32, #tpu.memory_space<hbm>>, %arg4: memref<323584xi32, #tpu.memory_space<hbm>>, %arg5: memref<128x128xf32, #tpu.memory_space<hbm>>, %arg6: memref<2x10240x128xf32, #tpu.memory_space<hbm>>, %arg7: memref<128xi32, #tpu.memory_space<vmem>>, %arg8: memref<128xi32, #tpu.memory_space<vmem>>, %arg9: memref<128x128xf32, #tpu.memory_space<vmem>>, %arg10: memref<10240x128xf32, #tpu.memory_space<vmem_shared>>, %arg11: memref<!tpu.dma_semaphore, #tpu.memory_space<semaphore_mem>>) attributes {dimension_semantics = [#tpu.dimension_semantics<core_parallel>, #tpu.dimension_semantics<subcore_parallel>], iteration_bounds = array<i64: 2, 16>, scalar_prefetch = 0 : i64, scratch_operands = 5 : i64, tpu.core_type = #tpu.core_type<sc_vector_subcore>, window_params = [{transform_indices = #map}, {transform_indices = #map1}, {transform_indices = #map1}, {transform_indices = #map}, {transform_indices = #map2}]} {
    %mul3A = arith.constant 2 : i32
    %mul3A_0 = arith.muli %arg1, %mul3A : i32
    %add3A = arith.addi %mul3A_0, %arg0 : i32
    %mul3A_1 = arith.constant 640 : i32
    %mul3A_2 = arith.muli %arg1, %mul3A_1 : i32
    %add3A_3 = arith.constant 0 : i32
    %add3A_4 = arith.addi %mul3A_2, %add3A_3 : i32
    "tpu.region"() ({
      %run_scoped3A = tpu.sem_alloc : memref<!tpu.dma_semaphore, #tpu.memory_space<semaphore_mem>>
      %dma_start3A = arith.constant 0 : i32
      %dma_start3A_49 = tpu.memref_slice %arg10[%add3A_4, %dma_start3A] : memref<10240x128xf32, #tpu.memory_space<vmem_shared>> -> memref<128x128xf32, #tpu.memory_space<vmem_shared>>
      tpu.enqueue_dma source(%arg5 : memref<128x128xf32, #tpu.memory_space<hbm>>) target(%dma_start3A_49 : memref<128x128xf32, #tpu.memory_space<vmem_shared>>) target_semaphore(%run_scoped3A : memref<!tpu.dma_semaphore, #tpu.memory_space<semaphore_mem>>)
      %dma_wait3A = arith.constant 0 : i32
      %dma_wait3A_50 = tpu.memref_slice %arg10[%add3A_4, %dma_wait3A] : memref<10240x128xf32, #tpu.memory_space<vmem_shared>> -> memref<128x128xf32, #tpu.memory_space<vmem_shared>>
      tpu.wait_dma2 semaphore(%run_scoped3A : memref<!tpu.dma_semaphore, #tpu.memory_space<semaphore_mem>>) src(%arg5 : memref<128x128xf32, #tpu.memory_space<hbm>>) dst(%dma_wait3A_50 : memref<128x128xf32, #tpu.memory_space<vmem_shared>>)
      tpu.yield
    }) : () -> ()
    %mul3A_5 = arith.constant 640 : i32
    %mul3A_6 = arith.muli %arg1, %mul3A_5 : i32
    %add3A_7 = arith.constant 128 : i32
    %add3A_8 = arith.addi %mul3A_6, %add3A_7 : i32
    "tpu.region"() ({
      %run_scoped3A = tpu.sem_alloc : memref<!tpu.dma_semaphore, #tpu.memory_space<semaphore_mem>>
      %dma_start3A = arith.constant 0 : i32
      %dma_start3A_49 = tpu.memref_slice %arg10[%add3A_8, %dma_start3A] : memref<10240x128xf32, #tpu.memory_space<vmem_shared>> -> memref<128x128xf32, #tpu.memory_space<vmem_shared>>
      tpu.enqueue_dma source(%arg5 : memref<128x128xf32, #tpu.memory_space<hbm>>) target(%dma_start3A_49 : memref<128x128xf32, #tpu.memory_space<vmem_shared>>) target_semaphore(%run_scoped3A : memref<!tpu.dma_semaphore, #tpu.memory_space<semaphore_mem>>)
      %dma_wait3A = arith.constant 0 : i32
      %dma_wait3A_50 = tpu.memref_slice %arg10[%add3A_8, %dma_wait3A] : memref<10240x128xf32, #tpu.memory_space<vmem_shared>> -> memref<128x128xf32, #tpu.memory_space<vmem_shared>>
      tpu.wait_dma2 semaphore(%run_scoped3A : memref<!tpu.dma_semaphore, #tpu.memory_space<semaphore_mem>>) src(%arg5 : memref<128x128xf32, #tpu.memory_space<hbm>>) dst(%dma_wait3A_50 : memref<128x128xf32, #tpu.memory_space<vmem_shared>>)
      tpu.yield
    }) : () -> ()
    %mul3A_9 = arith.constant 640 : i32
    %mul3A_10 = arith.muli %arg1, %mul3A_9 : i32
    %add3A_11 = arith.constant 256 : i32
    %add3A_12 = arith.addi %mul3A_10, %add3A_11 : i32
    "tpu.region"() ({
      %run_scoped3A = tpu.sem_alloc : memref<!tpu.dma_semaphore, #tpu.memory_space<semaphore_mem>>
      %dma_start3A = arith.constant 0 : i32
      %dma_start3A_49 = tpu.memref_slice %arg10[%add3A_12, %dma_start3A] : memref<10240x128xf32, #tpu.memory_space<vmem_shared>> -> memref<128x128xf32, #tpu.memory_space<vmem_shared>>
      tpu.enqueue_dma source(%arg5 : memref<128x128xf32, #tpu.memory_space<hbm>>) target(%dma_start3A_49 : memref<128x128xf32, #tpu.memory_space<vmem_shared>>) target_semaphore(%run_scoped3A : memref<!tpu.dma_semaphore, #tpu.memory_space<semaphore_mem>>)
      %dma_wait3A = arith.constant 0 : i32
      %dma_wait3A_50 = tpu.memref_slice %arg10[%add3A_12, %dma_wait3A] : memref<10240x128xf32, #tpu.memory_space<vmem_shared>> -> memref<128x128xf32, #tpu.memory_space<vmem_shared>>
      tpu.wait_dma2 semaphore(%run_scoped3A : memref<!tpu.dma_semaphore, #tpu.memory_space<semaphore_mem>>) src(%arg5 : memref<128x128xf32, #tpu.memory_space<hbm>>) dst(%dma_wait3A_50 : memref<128x128xf32, #tpu.memory_space<vmem_shared>>)
      tpu.yield
    }) : () -> ()
    %mul3A_13 = arith.constant 640 : i32
    %mul3A_14 = arith.muli %arg1, %mul3A_13 : i32
    %add3A_15 = arith.constant 384 : i32
    %add3A_16 = arith.addi %mul3A_14, %add3A_15 : i32
    "tpu.region"() ({
      %run_scoped3A = tpu.sem_alloc : memref<!tpu.dma_semaphore, #tpu.memory_space<semaphore_mem>>
      %dma_start3A = arith.constant 0 : i32
      %dma_start3A_49 = tpu.memref_slice %arg10[%add3A_16, %dma_start3A] : memref<10240x128xf32, #tpu.memory_space<vmem_shared>> -> memref<128x128xf32, #tpu.memory_space<vmem_shared>>
      tpu.enqueue_dma source(%arg5 : memref<128x128xf32, #tpu.memory_space<hbm>>) target(%dma_start3A_49 : memref<128x128xf32, #tpu.memory_space<vmem_shared>>) target_semaphore(%run_scoped3A : memref<!tpu.dma_semaphore, #tpu.memory_space<semaphore_mem>>)
      %dma_wait3A = arith.constant 0 : i32
      %dma_wait3A_50 = tpu.memref_slice %arg10[%add3A_16, %dma_wait3A] : memref<10240x128xf32, #tpu.memory_space<vmem_shared>> -> memref<128x128xf32, #tpu.memory_space<vmem_shared>>
      tpu.wait_dma2 semaphore(%run_scoped3A : memref<!tpu.dma_semaphore, #tpu.memory_space<semaphore_mem>>) src(%arg5 : memref<128x128xf32, #tpu.memory_space<hbm>>) dst(%dma_wait3A_50 : memref<128x128xf32, #tpu.memory_space<vmem_shared>>)
      tpu.yield
    }) : () -> ()
    %mul3A_17 = arith.constant 640 : i32
    %mul3A_18 = arith.muli %arg1, %mul3A_17 : i32
    %add3A_19 = arith.constant 512 : i32
    %add3A_20 = arith.addi %mul3A_18, %add3A_19 : i32
    "tpu.region"() ({
      %run_scoped3A = tpu.sem_alloc : memref<!tpu.dma_semaphore, #tpu.memory_space<semaphore_mem>>
      %dma_start3A = arith.constant 0 : i32
      %dma_start3A_49 = tpu.memref_slice %arg10[%add3A_20, %dma_start3A] : memref<10240x128xf32, #tpu.memory_space<vmem_shared>> -> memref<128x128xf32, #tpu.memory_space<vmem_shared>>
      tpu.enqueue_dma source(%arg5 : memref<128x128xf32, #tpu.memory_space<hbm>>) target(%dma_start3A_49 : memref<128x128xf32, #tpu.memory_space<vmem_shared>>) target_semaphore(%run_scoped3A : memref<!tpu.dma_semaphore, #tpu.memory_space<semaphore_mem>>)
      %dma_wait3A = arith.constant 0 : i32
      %dma_wait3A_50 = tpu.memref_slice %arg10[%add3A_20, %dma_wait3A] : memref<10240x128xf32, #tpu.memory_space<vmem_shared>> -> memref<128x128xf32, #tpu.memory_space<vmem_shared>>
      tpu.wait_dma2 semaphore(%run_scoped3A : memref<!tpu.dma_semaphore, #tpu.memory_space<semaphore_mem>>) src(%arg5 : memref<128x128xf32, #tpu.memory_space<hbm>>) dst(%dma_wait3A_50 : memref<128x128xf32, #tpu.memory_space<vmem_shared>>)
      tpu.yield
    }) : () -> ()
    %barrier3A = arith.constant 0 : index
    tpu.barrier barrier_id(%barrier3A)
    %mul3A_21 = arith.constant 10112 : i32
    %mul3A_22 = arith.muli %add3A, %mul3A_21 : i32
    %scan3A = arith.constant 0 : i32
    %scan3A_23 = arith.constant 0 : i32
    %scan3A_24 = arith.constant 79 : i32
    %scan3A_25 = arith.addi %scan3A_23, %scan3A_24 : i32
    %scan3A_26 = arith.constant 1 : i32
    scf.for %scan3A_49 = %scan3A_23 to %scan3A_25 step %scan3A_26  : i32 {
      %mul3A_50 = arith.constant 128 : i32
      %mul3A_51 = arith.muli %scan3A_49, %mul3A_50 : i32
      %add3A_52 = arith.addi %mul3A_22, %mul3A_51 : i32
      "tpu.region"() ({
        %run_scoped3A = tpu.sem_alloc : memref<!tpu.dma_semaphore, #tpu.memory_space<semaphore_mem>>
        %dma_start3A_57 = tpu.memref_slice %arg3[%add3A_52] : memref<323584xi32, #tpu.memory_space<hbm>> -> memref<128xi32, #tpu.memory_space<hbm>>
        %dma_start3A_58 = tpu.memref_slice %arg3[%add3A_52] : memref<323584xi32, #tpu.memory_space<hbm>> -> memref<128xi32, #tpu.memory_space<hbm>>
        tpu.enqueue_dma source(%dma_start3A_58 : memref<128xi32, #tpu.memory_space<hbm>>) target(%arg7 : memref<128xi32, #tpu.memory_space<vmem>>) target_semaphore(%run_scoped3A : memref<!tpu.dma_semaphore, #tpu.memory_space<semaphore_mem>>)
        %dma_wait3A_59 = tpu.memref_slice %arg3[%add3A_52] : memref<323584xi32, #tpu.memory_space<hbm>> -> memref<128xi32, #tpu.memory_space<hbm>>
        %dma_wait3A_60 = tpu.memref_slice %arg3[%add3A_52] : memref<323584xi32, #tpu.memory_space<hbm>> -> memref<128xi32, #tpu.memory_space<hbm>>
        tpu.wait_dma2 semaphore(%run_scoped3A : memref<!tpu.dma_semaphore, #tpu.memory_space<semaphore_mem>>) src(%dma_wait3A_60 : memref<128xi32, #tpu.memory_space<hbm>>) dst(%arg7 : memref<128xi32, #tpu.memory_space<vmem>>)
        tpu.yield
      }) : () -> ()
      "tpu.region"() ({
        %run_scoped3A = tpu.sem_alloc : memref<!tpu.dma_semaphore, #tpu.memory_space<semaphore_mem>>
        %dma_start3A_57 = tpu.memref_slice %arg4[%add3A_52] : memref<323584xi32, #tpu.memory_space<hbm>> -> memref<128xi32, #tpu.memory_space<hbm>>
        %dma_start3A_58 = tpu.memref_slice %arg4[%add3A_52] : memref<323584xi32, #tpu.memory_space<hbm>> -> memref<128xi32, #tpu.memory_space<hbm>>
        tpu.enqueue_dma source(%dma_start3A_58 : memref<128xi32, #tpu.memory_space<hbm>>) target(%arg8 : memref<128xi32, #tpu.memory_space<vmem>>) target_semaphore(%run_scoped3A : memref<!tpu.dma_semaphore, #tpu.memory_space<semaphore_mem>>)
        %dma_wait3A_59 = tpu.memref_slice %arg4[%add3A_52] : memref<323584xi32, #tpu.memory_space<hbm>> -> memref<128xi32, #tpu.memory_space<hbm>>
        %dma_wait3A_60 = tpu.memref_slice %arg4[%add3A_52] : memref<323584xi32, #tpu.memory_space<hbm>> -> memref<128xi32, #tpu.memory_space<hbm>>
        tpu.wait_dma2 semaphore(%run_scoped3A : memref<!tpu.dma_semaphore, #tpu.memory_space<semaphore_mem>>) src(%dma_wait3A_60 : memref<128xi32, #tpu.memory_space<hbm>>) dst(%arg8 : memref<128xi32, #tpu.memory_space<vmem>>)
        tpu.yield
      }) : () -> ()
      %dma_start3A = arith.constant 0 : i32
      %dma_start3A_53 = arith.constant 0 : i32
      %dma_start3A_54 = tpu.memref_slice %arg2[%dma_start3A, %dma_start3A_53] : memref<10240x128xf32, #tpu.memory_space<hbm>> -> memref<10240x128xf32, #tpu.memory_space<hbm>>
      tpu.enqueue_indirect_dma source(%dma_start3A_54 : memref<10240x128xf32, #tpu.memory_space<hbm>>) target(%arg9 : memref<128x128xf32, #tpu.memory_space<vmem>>) offsets(%arg7 : memref<128xi32, #tpu.memory_space<vmem>>) semaphore(%arg11 : memref<!tpu.dma_semaphore, #tpu.memory_space<semaphore_mem>>)
      %dma_wait3A = arith.constant 0 : i32
      %dma_wait3A_55 = arith.constant 0 : i32
      %dma_wait3A_56 = tpu.memref_slice %arg2[%dma_wait3A, %dma_wait3A_55] : memref<10240x128xf32, #tpu.memory_space<hbm>> -> memref<10240x128xf32, #tpu.memory_space<hbm>>
      tpu.wait_indirect_dma semaphore(%arg11 : memref<!tpu.dma_semaphore, #tpu.memory_space<semaphore_mem>>) src(%dma_wait3A_56 : memref<10240x128xf32, #tpu.memory_space<hbm>>) dst(%arg9 : memref<128x128xf32, #tpu.memory_space<vmem>>)
      "tpu.region"() ({
        %run_scoped3A = tpu.sem_alloc : memref<!tpu.dma_semaphore, #tpu.memory_space<semaphore_mem>>
        %dma_start3A_57 = arith.constant 0 : i32
        %dma_start3A_58 = arith.constant 0 : i32
        %dma_start3A_59 = tpu.memref_slice %arg10[%dma_start3A_57, %dma_start3A_58] : memref<10240x128xf32, #tpu.memory_space<vmem_shared>> -> memref<10240x128xf32, #tpu.memory_space<vmem_shared>>
        tpu.enqueue_indirect_dma source(%arg9 : memref<128x128xf32, #tpu.memory_space<vmem>>) target(%dma_start3A_59 : memref<10240x128xf32, #tpu.memory_space<vmem_shared>>) offsets(%arg8 : memref<128xi32, #tpu.memory_space<vmem>>) semaphore(%run_scoped3A : memref<!tpu.dma_semaphore, #tpu.memory_space<semaphore_mem>>) {add = true}
        %dma_wait3A_60 = arith.constant 0 : i32
        %dma_wait3A_61 = arith.constant 0 : i32
        %dma_wait3A_62 = tpu.memref_slice %arg10[%dma_wait3A_60, %dma_wait3A_61] : memref<10240x128xf32, #tpu.memory_space<vmem_shared>> -> memref<10240x128xf32, #tpu.memory_space<vmem_shared>>
        tpu.wait_indirect_dma semaphore(%run_scoped3A : memref<!tpu.dma_semaphore, #tpu.memory_space<semaphore_mem>>) src(%arg9 : memref<128x128xf32, #tpu.memory_space<vmem>>) dst(%dma_wait3A_62 : memref<10240x128xf32, #tpu.memory_space<vmem_shared>>)
        tpu.yield
      }) : () -> ()
    }
    %scan3A_27 = arith.constant 79 : i32
    %barrier3A_28 = arith.constant 0 : index
    tpu.barrier barrier_id(%barrier3A_28)
    %mul3A_29 = arith.constant 640 : i32
    %mul3A_30 = arith.muli %arg1, %mul3A_29 : i32
    %add3A_31 = arith.constant 0 : i32
    %add3A_32 = arith.addi %mul3A_30, %add3A_31 : i32
    "tpu.region"() ({
      %run_scoped3A = tpu.sem_alloc : memref<!tpu.dma_semaphore, #tpu.memory_space<semaphore_mem>>
      %dma_start3A = arith.constant 0 : i32
      %dma_start3A_49 = tpu.memref_slice %arg6[%arg0, %add3A_32, %dma_start3A] : memref<2x10240x128xf32, #tpu.memory_space<hbm>> -> memref<1x128x128xf32, #tpu.memory_space<hbm>>
      %dma_start3A_50 = tpu.memref_squeeze %dma_start3A_49 : memref<1x128x128xf32, #tpu.memory_space<hbm>> -> memref<128x128xf32, #tpu.memory_space<hbm>>
      %dma_start3A_51 = arith.constant 0 : i32
      %dma_start3A_52 = tpu.memref_slice %arg10[%add3A_32, %dma_start3A_51] : memref<10240x128xf32, #tpu.memory_space<vmem_shared>> -> memref<128x128xf32, #tpu.memory_space<vmem_shared>>
      tpu.enqueue_dma source(%dma_start3A_52 : memref<128x128xf32, #tpu.memory_space<vmem_shared>>) target(%dma_start3A_50 : memref<128x128xf32, #tpu.memory_space<hbm>>) target_semaphore(%run_scoped3A : memref<!tpu.dma_semaphore, #tpu.memory_space<semaphore_mem>>)
      %dma_wait3A = arith.constant 0 : i32
      %dma_wait3A_53 = tpu.memref_slice %arg6[%arg0, %add3A_32, %dma_wait3A] : memref<2x10240x128xf32, #tpu.memory_space<hbm>> -> memref<1x128x128xf32, #tpu.memory_space<hbm>>
      %dma_wait3A_54 = tpu.memref_squeeze %dma_wait3A_53 : memref<1x128x128xf32, #tpu.memory_space<hbm>> -> memref<128x128xf32, #tpu.memory_space<hbm>>
      %dma_wait3A_55 = arith.constant 0 : i32
      %dma_wait3A_56 = tpu.memref_slice %arg10[%add3A_32, %dma_wait3A_55] : memref<10240x128xf32, #tpu.memory_space<vmem_shared>> -> memref<128x128xf32, #tpu.memory_space<vmem_shared>>
      tpu.wait_dma2 semaphore(%run_scoped3A : memref<!tpu.dma_semaphore, #tpu.memory_space<semaphore_mem>>) src(%dma_wait3A_56 : memref<128x128xf32, #tpu.memory_space<vmem_shared>>) dst(%dma_wait3A_54 : memref<128x128xf32, #tpu.memory_space<hbm>>)
      tpu.yield
    }) : () -> ()
    %mul3A_33 = arith.constant 640 : i32
    %mul3A_34 = arith.muli %arg1, %mul3A_33 : i32
    %add3A_35 = arith.constant 128 : i32
    %add3A_36 = arith.addi %mul3A_34, %add3A_35 : i32
    "tpu.region"() ({
      %run_scoped3A = tpu.sem_alloc : memref<!tpu.dma_semaphore, #tpu.memory_space<semaphore_mem>>
      %dma_start3A = arith.constant 0 : i32
      %dma_start3A_49 = tpu.memref_slice %arg6[%arg0, %add3A_36, %dma_start3A] : memref<2x10240x128xf32, #tpu.memory_space<hbm>> -> memref<1x128x128xf32, #tpu.memory_space<hbm>>
      %dma_start3A_50 = tpu.memref_squeeze %dma_start3A_49 : memref<1x128x128xf32, #tpu.memory_space<hbm>> -> memref<128x128xf32, #tpu.memory_space<hbm>>
      %dma_start3A_51 = arith.constant 0 : i32
      %dma_start3A_52 = tpu.memref_slice %arg10[%add3A_36, %dma_start3A_51] : memref<10240x128xf32, #tpu.memory_space<vmem_shared>> -> memref<128x128xf32, #tpu.memory_space<vmem_shared>>
      tpu.enqueue_dma source(%dma_start3A_52 : memref<128x128xf32, #tpu.memory_space<vmem_shared>>) target(%dma_start3A_50 : memref<128x128xf32, #tpu.memory_space<hbm>>) target_semaphore(%run_scoped3A : memref<!tpu.dma_semaphore, #tpu.memory_space<semaphore_mem>>)
      %dma_wait3A = arith.constant 0 : i32
      %dma_wait3A_53 = tpu.memref_slice %arg6[%arg0, %add3A_36, %dma_wait3A] : memref<2x10240x128xf32, #tpu.memory_space<hbm>> -> memref<1x128x128xf32, #tpu.memory_space<hbm>>
      %dma_wait3A_54 = tpu.memref_squeeze %dma_wait3A_53 : memref<1x128x128xf32, #tpu.memory_space<hbm>> -> memref<128x128xf32, #tpu.memory_space<hbm>>
      %dma_wait3A_55 = arith.constant 0 : i32
      %dma_wait3A_56 = tpu.memref_slice %arg10[%add3A_36, %dma_wait3A_55] : memref<10240x128xf32, #tpu.memory_space<vmem_shared>> -> memref<128x128xf32, #tpu.memory_space<vmem_shared>>
      tpu.wait_dma2 semaphore(%run_scoped3A : memref<!tpu.dma_semaphore, #tpu.memory_space<semaphore_mem>>) src(%dma_wait3A_56 : memref<128x128xf32, #tpu.memory_space<vmem_shared>>) dst(%dma_wait3A_54 : memref<128x128xf32, #tpu.memory_space<hbm>>)
      tpu.yield
    }) : () -> ()
    %mul3A_37 = arith.constant 640 : i32
    %mul3A_38 = arith.muli %arg1, %mul3A_37 : i32
    %add3A_39 = arith.constant 256 : i32
    %add3A_40 = arith.addi %mul3A_38, %add3A_39 : i32
    "tpu.region"() ({
      %run_scoped3A = tpu.sem_alloc : memref<!tpu.dma_semaphore, #tpu.memory_space<semaphore_mem>>
      %dma_start3A = arith.constant 0 : i32
      %dma_start3A_49 = tpu.memref_slice %arg6[%arg0, %add3A_40, %dma_start3A] : memref<2x10240x128xf32, #tpu.memory_space<hbm>> -> memref<1x128x128xf32, #tpu.memory_space<hbm>>
      %dma_start3A_50 = tpu.memref_squeeze %dma_start3A_49 : memref<1x128x128xf32, #tpu.memory_space<hbm>> -> memref<128x128xf32, #tpu.memory_space<hbm>>
      %dma_start3A_51 = arith.constant 0 : i32
      %dma_start3A_52 = tpu.memref_slice %arg10[%add3A_40, %dma_start3A_51] : memref<10240x128xf32, #tpu.memory_space<vmem_shared>> -> memref<128x128xf32, #tpu.memory_space<vmem_shared>>
      tpu.enqueue_dma source(%dma_start3A_52 : memref<128x128xf32, #tpu.memory_space<vmem_shared>>) target(%dma_start3A_50 : memref<128x128xf32, #tpu.memory_space<hbm>>) target_semaphore(%run_scoped3A : memref<!tpu.dma_semaphore, #tpu.memory_space<semaphore_mem>>)
      %dma_wait3A = arith.constant 0 : i32
      %dma_wait3A_53 = tpu.memref_slice %arg6[%arg0, %add3A_40, %dma_wait3A] : memref<2x10240x128xf32, #tpu.memory_space<hbm>> -> memref<1x128x128xf32, #tpu.memory_space<hbm>>
      %dma_wait3A_54 = tpu.memref_squeeze %dma_wait3A_53 : memref<1x128x128xf32, #tpu.memory_space<hbm>> -> memref<128x128xf32, #tpu.memory_space<hbm>>
      %dma_wait3A_55 = arith.constant 0 : i32
      %dma_wait3A_56 = tpu.memref_slice %arg10[%add3A_40, %dma_wait3A_55] : memref<10240x128xf32, #tpu.memory_space<vmem_shared>> -> memref<128x128xf32, #tpu.memory_space<vmem_shared>>
      tpu.wait_dma2 semaphore(%run_scoped3A : memref<!tpu.dma_semaphore, #tpu.memory_space<semaphore_mem>>) src(%dma_wait3A_56 : memref<128x128xf32, #tpu.memory_space<vmem_shared>>) dst(%dma_wait3A_54 : memref<128x128xf32, #tpu.memory_space<hbm>>)
      tpu.yield
    }) : () -> ()
    %mul3A_41 = arith.constant 640 : i32
    %mul3A_42 = arith.muli %arg1, %mul3A_41 : i32
    %add3A_43 = arith.constant 384 : i32
    %add3A_44 = arith.addi %mul3A_42, %add3A_43 : i32
    "tpu.region"() ({
      %run_scoped3A = tpu.sem_alloc : memref<!tpu.dma_semaphore, #tpu.memory_space<semaphore_mem>>
      %dma_start3A = arith.constant 0 : i32
      %dma_start3A_49 = tpu.memref_slice %arg6[%arg0, %add3A_44, %dma_start3A] : memref<2x10240x128xf32, #tpu.memory_space<hbm>> -> memref<1x128x128xf32, #tpu.memory_space<hbm>>
      %dma_start3A_50 = tpu.memref_squeeze %dma_start3A_49 : memref<1x128x128xf32, #tpu.memory_space<hbm>> -> memref<128x128xf32, #tpu.memory_space<hbm>>
      %dma_start3A_51 = arith.constant 0 : i32
      %dma_start3A_52 = tpu.memref_slice %arg10[%add3A_44, %dma_start3A_51] : memref<10240x128xf32, #tpu.memory_space<vmem_shared>> -> memref<128x128xf32, #tpu.memory_space<vmem_shared>>
      tpu.enqueue_dma source(%dma_start3A_52 : memref<128x128xf32, #tpu.memory_space<vmem_shared>>) target(%dma_start3A_50 : memref<128x128xf32, #tpu.memory_space<hbm>>) target_semaphore(%run_scoped3A : memref<!tpu.dma_semaphore, #tpu.memory_space<semaphore_mem>>)
      %dma_wait3A = arith.constant 0 : i32
      %dma_wait3A_53 = tpu.memref_slice %arg6[%arg0, %add3A_44, %dma_wait3A] : memref<2x10240x128xf32, #tpu.memory_space<hbm>> -> memref<1x128x128xf32, #tpu.memory_space<hbm>>
      %dma_wait3A_54 = tpu.memref_squeeze %dma_wait3A_53 : memref<1x128x128xf32, #tpu.memory_space<hbm>> -> memref<128x128xf32, #tpu.memory_space<hbm>>
      %dma_wait3A_55 = arith.constant 0 : i32
      %dma_wait3A_56 = tpu.memref_slice %arg10[%add3A_44, %dma_wait3A_55] : memref<10240x128xf32, #tpu.memory_space<vmem_shared>> -> memref<128x128xf32, #tpu.memory_space<vmem_shared>>
      tpu.wait_dma2 semaphore(%run_scoped3A : memref<!tpu.dma_semaphore, #tpu.memory_space<semaphore_mem>>) src(%dma_wait3A_56 : memref<128x128xf32, #tpu.memory_space<vmem_shared>>) dst(%dma_wait3A_54 : memref<128x128xf32, #tpu.memory_space<hbm>>)
      tpu.yield
    }) : () -> ()
    %mul3A_45 = arith.constant 640 : i32
    %mul3A_46 = arith.muli %arg1, %mul3A_45 : i32
    %add3A_47 = arith.constant 512 : i32
    %add3A_48 = arith.addi %mul3A_46, %add3A_47 : i32
    "tpu.region"() ({
      %run_scoped3A = tpu.sem_alloc : memref<!tpu.dma_semaphore, #tpu.memory_space<semaphore_mem>>
      %dma_start3A = arith.constant 0 : i32
      %dma_start3A_49 = tpu.memref_slice %arg6[%arg0, %add3A_48, %dma_start3A] : memref<2x10240x128xf32, #tpu.memory_space<hbm>> -> memref<1x128x128xf32, #tpu.memory_space<hbm>>
      %dma_start3A_50 = tpu.memref_squeeze %dma_start3A_49 : memref<1x128x128xf32, #tpu.memory_space<hbm>> -> memref<128x128xf32, #tpu.memory_space<hbm>>
      %dma_start3A_51 = arith.constant 0 : i32
      %dma_start3A_52 = tpu.memref_slice %arg10[%add3A_48, %dma_start3A_51] : memref<10240x128xf32, #tpu.memory_space<vmem_shared>> -> memref<128x128xf32, #tpu.memory_space<vmem_shared>>
      tpu.enqueue_dma source(%dma_start3A_52 : memref<128x128xf32, #tpu.memory_space<vmem_shared>>) target(%dma_start3A_50 : memref<128x128xf32, #tpu.memory_space<hbm>>) target_semaphore(%run_scoped3A : memref<!tpu.dma_semaphore, #tpu.memory_space<semaphore_mem>>)
      %dma_wait3A = arith.constant 0 : i32
      %dma_wait3A_53 = tpu.memref_slice %arg6[%arg0, %add3A_48, %dma_wait3A] : memref<2x10240x128xf32, #tpu.memory_space<hbm>> -> memref<1x128x128xf32, #tpu.memory_space<hbm>>
      %dma_wait3A_54 = tpu.memref_squeeze %dma_wait3A_53 : memref<1x128x128xf32, #tpu.memory_space<hbm>> -> memref<128x128xf32, #tpu.memory_space<hbm>>
      %dma_wait3A_55 = arith.constant 0 : i32
      %dma_wait3A_56 = tpu.memref_slice %arg10[%add3A_48, %dma_wait3A_55] : memref<10240x128xf32, #tpu.memory_space<vmem_shared>> -> memref<128x128xf32, #tpu.memory_space<vmem_shared>>
      tpu.wait_dma2 semaphore(%run_scoped3A : memref<!tpu.dma_semaphore, #tpu.memory_space<semaphore_mem>>) src(%dma_wait3A_56 : memref<128x128xf32, #tpu.memory_space<vmem_shared>>) dst(%dma_wait3A_54 : memref<128x128xf32, #tpu.memory_space<hbm>>)
      tpu.yield
    }) : () -> ()
    return
  }
}

</mosaic_0001>

<sc_bundles>
// kernel: _sc_agg.3.cloned.1.call-start
scs
__scs_entry_jumppad:
0x0: {  	(pc) =	sbr.rel $0x88, $3  }
0x1: {  	(tag) =	ssettag $0x0;
	lr =	simm.s32 $0x1  }
0x2: {  	[smem:$0x3F9D] =	sst lr;
	_ =	strace $0xD0000000  }
0x3: {  	_ = 	snop  }
0x4: {  	_ = 	snop  }
0x5: {  	_ = 	snop  }
0x6: {  	_ = 	snop  }
0x7: {  	_ = 	snop  }
__scs_overlays_trampoline_lowered:
0x8: {  	[smem:$0x3FAC] =	sst s0  }
0x9: {  	[smem:$0x3FAD] =	sst s1  }
0xa: {  	[smem:$0x3FAE] =	sst s2  }
0xb: {  	[smem:$0x3FAF] =	sst s3  }
0xc: {  	[smem:$0x3FB0] =	sst s4  }
0xd: {  	[smem:$0x3FB1] =	sst s5  }
0xe: {  	[smem:$0x3FB2] =	sst s6  }
0xf: {  	[smem:$0x3FB3] =	sst s7  }
0x10: {  	[smem:$0x3FB4] =	sst s8  }
0x11: {  	[smem:$0x3FB5] =	sst s9;
	s0 =	simm.s32 @!p0 $0x0  }
0x12: {  	s1 =	sld [smem:$0x3F9B];
	s0 =	simm.s32 @p0 $0x1  }
0x13: {  	[smem:$0x3FB6] =	sst s0;
	s0 =	simm.s32 @!p1 $0x0  }
0x14: {  	s2 =	sld [smem:$0x3F9A];
	s0 =	simm.s32 @p1 $0x1  }
0x15: {  	[smem:$0x3FB7] =	sst s0;
	s0 =	simm.s32 @!p2 $0x0  }
0x16: {  	s3 =	sld [smem:$0x3FDB];
	s0 =	simm.s32 @p2 $0x1  }
0x17: {  	s4 =	simm.s32 $0x1BF5;
	[smem:$0x3FB9] =	sst s0  }
0x18: {  	s0 =	sld [smem:$0x3F9C];
	_ =	swait.ge [sflag:s4], $0x0  }
0x19: {  	s7 =	sld [smem:$0x3F9D]  }
0x1a: {  	s8 =	sadd.s32 $0xFFFFE003, lr  }
0x1b: {  	s9 =	sadd.s32 $0xFFFFFEF7, lr;
	s5 =	simm.s32 $0xFFFFFFFF;
	p2 =	slt.u32 s8, $0xFFFFF086  }
0x1c: {  	p1 =	slt.u32 s9, $0xF7A;
	s5 =	simm.s32 @!p2 $0x0  }
0x1d: {  	s5 =	simm.s32 @p1 $0x1;
	p0 =	seq.s32 s7, s2  }
0x1e: {  	s7 =	smul.u32 @!p0 $0xF7A, s2;
	p2 =	seq.s32 @!p0 s5, $0x0  }
0x1f: {  	s9 =	smul.u32 $0xF7A, s1;
	s8 =	simm.s32 @!p0 $0x1BF5;
	p2 =	por !p2, p0  }
0x20: {  	[sflag:s8] =	ssyncset.s32 @!p0 $0xFFFFF086;
	s6 =	sadd.s32 @!p0 s3, s7;
	s7 =	simm.s32 @!p0 $0x108  }
0x21: {  	s3 =	sadd.s32 s3, s9;
	s6 =	sadd.s32 @!p0 $0x88, s6;
	s7 =	simm.s32 @p2 $0x1082  }
0x22: {  	[simem:s7], [sflag:s8] =	dma.local @!p0 [hbm:s6], $0xF7A  }
0x23: {  	s9 =	sor.u32 $0xD0000000, s2;
	s6 =	simm.s32 $0x108;
	_ =	swait.ge @!p0 [sflag:s8], $0x0  }
0x24: {  	s3 =	sadd.s32 $0x88, s3;
	s6 =	simm.s32 @!p1 $0x1082;
	[sflag:s4] =	ssyncset.s32 $0xFFFFF086  }
0x25: {  	[simem:s6], [sflag:s4] =	dma.local [hbm:s3], $0xF7A  }
0x26: {  	[smem:$0x3F9D] =	sst s1;
	(tag) =	ssettag s2;
	_ =	strace s9  }
0x27: {  	s1 =	sld [smem:$0x3FAD]  }
0x28: {  	s2 =	sld [smem:$0x3FAE]  }
0x29: {  	s4 =	sld [smem:$0x3FB0]  }
0x2a: {  	p0 =	seq.s32 s5, $0x0;
	s5 =	sld [smem:$0x3FB1]  }
0x2b: {  	s6 =	sld [smem:$0x3FB2]  }
0x2c: {  	s7 =	sld [smem:$0x3FB3]  }
0x2d: {  	s3 =	simm.s32 $0x108;
	s8 =	sld [smem:$0x3FB4]  }
0x2e: {  	s3 =	simm.s32 @!p0 $0x1082;
	s9 =	sld [smem:$0x3FB5]  }
0x2f: {  	lr =	sadd.s32 s0, s3;
	s0 =	sld [smem:$0x3FAC]  }
0x30: {  	s3 =	sld [smem:$0x3FAF]  }
0x31: {  	[smem:$0x3FB8] =	sst s10  }
0x32: {  	s10 =	sld [smem:$0x3FB6];
	_ =	sdelay $0x3  }
0x33: {  	p0 =	seq.s32 s10, $0x1;
	s10 =	sld [smem:$0x3FB8];
	_ =	sdelay $0x3  }
0x34: {  	[smem:$0x3FB8] =	sst s10  }
0x35: {  	s10 =	sld [smem:$0x3FB7];
	_ =	sdelay $0x3  }
0x36: {  	p1 =	seq.s32 s10, $0x1;
	s10 =	sld [smem:$0x3FB8];
	_ =	sdelay $0x3  }
0x37: {  	[smem:$0x3FB8] =	sst s10  }
0x38: {  	s10 =	sld [smem:$0x3FB9]  }
0x39: {  	_ = 	snop;
	(pc) =	sbr.ind lr, $3  }
0x3a: {  	_ = 	snop  }
0x3b: {  	_ = 	snop  }
0x3c: {  	p2 =	seq.s32 s10, $0x1;
	s10 =	sld [smem:$0x3FB8]  }
0x3d: {  	_ =	shalt  }
0x3e: {  	_ =	shalt  }
0x3f: {  	_ =	shalt  }
0x40: {  	_ =	shalt  }
0x41: {  	_ =	shalt  }
0x42: {  	_ =	shalt  }
0x43: {  	_ =	shalt  }
0x44: {  	_ =	shalt  }
0x45: {  	_ =	shalt  }
0x46: {  	_ =	shalt  }
0x47: {  	_ =	shalt  }
0x48: {  	_ =	shalt  }
0x49: {  	_ =	shalt  }
0x4a: {  	_ =	shalt  }
0x4b: {  	_ =	shalt  }
0x4c: {  	_ =	shalt  }
0x4d: {  	_ =	shalt  }
0x4e: {  	_ =	shalt  }
0x4f: {  	_ =	shalt  }
0x50: {  	_ =	shalt  }
0x51: {  	_ =	shalt  }
0x52: {  	_ =	shalt  }
0x53: {  	_ =	shalt  }
0x54: {  	_ =	shalt  }
0x55: {  	_ =	shalt  }
0x56: {  	_ =	shalt  }
0x57: {  	_ =	shalt  }
0x58: {  	_ =	shalt  }
0x59: {  	_ =	shalt  }
0x5a: {  	_ =	shalt  }
0x5b: {  	_ =	shalt  }
0x5c: {  	_ =	shalt  }
0x5d: {  	_ =	shalt  }
0x5e: {  	_ =	shalt  }
0x5f: {  	_ =	shalt  }
0x60: {  	_ =	shalt  }
0x61: {  	_ =	shalt  }
0x62: {  	_ =	shalt  }
0x63: {  	_ =	shalt  }
0x64: {  	_ =	shalt  }
0x65: {  	_ =	shalt  }
0x66: {  	_ =	shalt  }
0x67: {  	_ =	shalt  }
0x68: {  	_ =	shalt  }
0x69: {  	_ =	shalt  }
0x6a: {  	_ =	shalt  }
0x6b: {  	_ =	shalt  }
0x6c: {  	_ =	shalt  }
0x6d: {  	_ =	shalt  }
0x6e: {  	_ =	shalt  }
0x6f: {  	_ =	shalt  }
0x70: {  	_ =	shalt  }
0x71: {  	_ =	shalt  }
0x72: {  	_ =	shalt  }
0x73: {  	_ =	shalt  }
0x74: {  	_ =	shalt  }
0x75: {  	_ =	shalt  }
0x76: {  	_ =	shalt  }
0x77: {  	_ =	shalt  }
0x78: {  	_ =	shalt  }
0x79: {  	_ =	shalt  }
0x7a: {  	_ =	shalt  }
0x7b: {  	_ =	shalt  }
0x7c: {  	_ =	shalt  }
0x7d: {  	_ =	shalt  }
0x7e: {  	_ =	shalt  }
0x7f: {  	_ =	shalt  }
0x80: {  	_ =	shalt  }
0x81: {  	_ =	shalt  }
0x82: {  	_ =	shalt  }
0x83: {  	_ =	shalt  }
0x84: {  	_ =	shalt  }
0x85: {  	_ =	shalt  }
0x86: {  	_ =	shalt  }
0x87: {  	_ =	shalt  }
.Lfunc_end0:
.L_simem_size_0:
called_computation_lowered:
.L_overlay_start_0:
0x88: {  	s2 =	sld [smem:$0x3FD9]  }
0x89: {  	s3 =	sld [smem:$0x3FFE];
	_ =	sdelay $0x1  }
0x8a: {  	s1 =	srdreg.scid  }
0x8b: {  	s0 =	sand.u32 $0x1, s1  }
0x8c: {  	s18 =	sshll.u32 s0, $0xA;
	s2 =	sadd.s32 s3, s2  }
0x8d: {  	s2 =	sadd.s32 s2, s18  }
0x8e: {  	[smem:$0x3FC4] =	sst s2  }
0x8f: {  	_ = 	snop  }
0x90: {  	s2 =	sld [smem:$0x3FC9]  }
0x91: {  	s19 =	sld [smem:$0x3FC8]  }
0x92: {  	s4 =	sld [smem:$0x3FC7]  }
0x93: {  	s5 =	sld [smem:$0x3FC6]  }
0x94: {  	s6 =	sld [smem:$0x3FD0];
	(tm) =	ssettm $0x1  }
0x95: {  	s7 =	sld [smem:$0x3FFB];
	_ =	sdelay $0x3  }
0x96: {  	_ =	strace s7  }
0x97: {  	s7 =	sld [smem:$0x3FFC];
	_ =	sdelay $0x3  }
0x98: {  	_ =	strace s7  }
0x99: {  	s7 =	sld [smem:$0x3FFD];
	_ =	sdelay $0x3  }
0x9a: {  	_ =	strace s7  }
0x9b: {  	_ =	strace $0x8FFFFFFF  }
0x9c: {  	s20 =	sld [smem:$0x3FDB];
	_ =	sdelay $0x1  }
0x9d: {  	s8 =	simm.s32 $_scs_section_size  }
0x9e: {  	s9 =	simm.s32 $_size__tile_overlayer_lowered;
	s10 =	simm.s32 $_tile_overlayer_lowered  }
0x9f: {  	s23 =	simm.s32 $0x1BFF;
	s22 =	sshll.u32 s10, $0x1;
	s7 =	sadd.s32 s8, s20  }
0xa0: {  	s11 =	simm.s32 $0x0;
	s21 =	sshll.u32 s9, $0x1;
	s9 =	sadd.s32 s22, s7  }
0xa1: {  	[timem:s11], [sflag:s23] =	dma.local [hbm:s9], s21  }
0xa2: {  	_ =	swait.ge [sflag:s23], s21  }
0xa3: {  	s8 =	ssub.s32 $0x0, s21;
	[sflag:s23] =	ssyncset.done $0x0  }
0xa4: {  	[sflag:s23] =	ssyncadd.s32 s8;
	_ =	sdelay $0x1  }
0xa5: {  	s24 =	simm.s32 $0x1B8B  }
0xa6: {  	_ =	swait.ge [sflag:s24], $0x1  }
0xa7: {  	[sflag:s24] =	ssyncset.done $0x0  }
0xa8: {  	s25 =	simm.s32 $0x1B8E;
	[sflag:s24] =	ssyncadd.s32 $0xFFFFFFFF  }
0xa9: {  	s26 =	simm.s32 $execute0_lowered;
	[smem:$0x3FD2] =	sst s25  }
0xaa: {  	s8 =	sshll.u32 s26, $0x1;
	_ =	strace $0x80000046;
	[dreg:$0x1] =	wrdreg $0xFFFFFFFF  }
0xab: {  	s28 =	simm.s32 $_size_execute0_lowered;
	s7 =	sadd.s32 s7, s8;
	[dreg:$0x0] =	wrdreg $0x0  }
0xac: {  	s8 =	sshll.u32 s28, $0x1;
	[dreg:$0x2] =	wrdreg s7  }
0xad: {  	[dreg:$0x3] =	wrdreg s8  }
0xae: {  	[dreg:$0x4] =	wrdreg $0xC0  }
0xaf: {  	_ =	task [dreg:s11], $0x5FFFF  }
0xb0: {  	[dreg:$0x1] =	wrdreg $0xFFFFFFFF  }
0xb1: {  	[dreg:$0x0] =	wrdreg $0x60  }
0xb2: {  	[dreg:$0x2] =	wrdreg s2  }
0xb3: {  	[dreg:$0x3] =	wrdreg s19  }
0xb4: {  	[dreg:$0x4] =	wrdreg s4  }
0xb5: {  	[dreg:$0x5] =	wrdreg s5  }
0xb6: {  	[dreg:$0x6] =	wrdreg s6  }
0xb7: {  	[dreg:$0x7] =	wrdreg $0x41000  }
0xb8: {  	[dreg:$0x8] =	wrdreg $0x9  }
0xb9: {  	_ =	task.clear_ibuf [dreg:s11], $0x9FFFF;
	_ =	strace $0x90000046  }
0xba: {  	s29 =	simm.s32 $0x9;
	_ =	strace $0x80000048  }
0xbb: {  	_ =	swait.ge [sflag:s29], $0x1  }
0xbc: {  	[sflag:s29] =	ssyncadd.s32 $0xFFFFFFFF  }
0xbd: {  	_ =	strace $0x90000048  }
0xbe: {  	_ =	sfence  }
0xbf: {  	s30 =	sld [smem:$0x0];
	_ =	sdelay $0x2  }
0xc0: {  	s31 =	sshll.u32 s1, $0xD;
	s1 =	sshrl.u32 s1, $0x2  }
0xc1: {  	s3 =	sand.u32 $0x4000, s31;
	s1 =	sadd.s32 s1, s30  }
0xc2: {  	s0 =	sor.u32 s3, s0;
	s1 =	sshll.u32 s1, $0x11  }
0xc3: {  	s0 =	sor.u32 s1, s0  }
0xc4: {  	s0 =	sadd.s32 $0x8F2B, s0  }
0xc5: {  	[sflag:s0] =	ssyncadd.remote.s32 $0x1  }
0xc6: {  	_ =	sfence.sel $0xFFFF  }
0xc7: {  	[dreg:$0x0] =	wrdreg $0xFFFFFFFF;
	(pc) =	sbr.abs _section_cstart, $3  }
0xc8: {  	[dreg:$0x1] =	wrdreg $0xFFFFFFFF  }
0xc9: {  	_ =	task.clear_ibuf [dreg:s11], $0x2FFFF;
	_ =	strace $0x9FFFFFFF  }
0xca: {  	(tm) =	ssettm $0x7FFFFFFF  }
0xcb: {  	_ =	shalt  }
tec
execute0_lowered:
.L_overlay_start_1:
0x0: {  	(tag) =	ssettag $0x1  }
0x1: {  	s0 =	rddreg [dreg:$0x0]  }
0x2: {  	s1 =	rddreg [dreg:$0x1]  }
0x3: {  	s17 =	rddreg [dreg:$0x2]  }
0x4: {  	s2 =	rddreg [dreg:$0x3]  }
0x5: {  	s16 =	rddreg [dreg:$0x4];
	s3 =	stileid.u32  }
0x6: {  	s4 =	rddreg [dreg:$0x5];
	s7 =	smul.u32 $0x50000, s3  }
0x7: {  	s5 =	srdreg.scid;
	s23 =	simm.s32 $0x1;
	s12 =	smul.u32 $0x14000, s3  }
0x8: {  	s24 =	simm.s32 $0x0;
	s15 =	sand.u32 $0x1, s5;
	s30 =	smul.u32 $0x9E0, s3  }
0x9: {  	s5 =	simm.s32 $0x0;
	s28 =	sshll.u32 s3, $0x6;
	s21 =	smul.u32 $0x140000, s15  }
0xa: {  	s6 =	ssub.s32 $0x2, s15;
	[smem:$0x7FF] =	sst s5;
	s22 =	smul.u32 $0x4F0, s15  }
0xb: {  	s8 =	sshrl.u32 s6, $0x1;
	_ =	strace $0x80000047;
	s26 =	sshrl.u32 s7, $0x2  }
0xc: {  	s13 =	sadd.s32 $0x4000, s12;
	s7 =	sor.u32 $0x1C02, s28;
	s14 =	sadd.s32 $0x8000, s12  }
0xd: {  	s19 =	sadd.s32 $0xC000, s12;
	s20 =	sadd.s32 $0x10000, s12;
	s31 =	sadd.s32 s30, s17  }
0xe: {  	s1 =	sadd.s32 s30, s1;
	s18 =	ssub.s32 s6, s8;
	s6 =	sadd.s32 s26, s4  }
0xf: {  	s29 =	sadd.s32 s13, s4;
	s9 =	sadd.s32 s14, s4;
	s10 =	sadd.s32 s19, s4  }
0x10: {  	s11 =	sadd.s32 s20, s4;
	s12 =	sadd.s32 s12, s21;
	s13 =	sadd.s32 s21, s13  }
0x11: {  	s14 =	sadd.s32 s21, s14;
	s19 =	sadd.s32 s21, s19;
	[dreg:$0x7] =	wrdreg s6  }
0x12: {  	s20 =	sadd.s32 s21, s20;
	s21 =	simm.s32 $0x80;
	[dreg:$0x8] =	wrdreg s29  }
0x13: {  	s12 =	sshrl.u32 s12, $0x3;
	s13 =	sshrl.u32 s13, $0x3;
	s14 =	sshrl.u32 s14, $0x3  }
0x14: {  	s19 =	sshrl.u32 s19, $0x3;
	s20 =	sshrl.u32 s20, $0x3;
	s17 =	smax.u32 s18, $0x1  }
0x15: {  	s18 =	sadd.s32 s22, s31;
	s12 =	sadd.s32 s16, s12;
	s13 =	sadd.s32 s16, s13  }
0x16: {  	s14 =	sadd.s32 s16, s14;
	s15 =	sadd.s32 s16, s19;
	s16 =	sadd.s32 s16, s20  }
0x17: {  	s19 =	sadd.s32 s22, s1;
	s20 =	simm.s32 $0x2;
	s22 =	simm.s32 $0x100  }
.LBB2_1:
0x18: {  	s1 =	rddreg [dreg:$0x7]  }
0x19: {  	s25 =	sshrl.u32 s1, $0x3  }
0x1a: {  	[spmem:s25], [sflag:s7] =	dma.local [hbm:s2], $0x800  }
0x1b: {  	_ =	swait.ge [sflag:s20], $0x800  }
0x1c: {  	[sflag:s20] =	ssyncset.done $0x0;
	s3 =	rddreg [dreg:$0x8]  }
0x1d: {  	[sflag:s20] =	ssyncadd.s32 $0xFFFFF800;
	s26 =	sshrl.u32 s3, $0x3  }
0x1e: {  	[spmem:s26], [sflag:s7] =	dma.local [hbm:s2], $0x800  }
0x1f: {  	_ =	swait.ge [sflag:s20], $0x800  }
0x20: {  	[sflag:s20] =	ssyncset.done $0x0  }
0x21: {  	s28 =	sshrl.u32 s9, $0x3;
	[sflag:s20] =	ssyncadd.s32 $0xFFFFF800  }
0x22: {  	[spmem:s28], [sflag:s7] =	dma.local [hbm:s2], $0x800  }
0x23: {  	_ =	swait.ge [sflag:s20], $0x800  }
0x24: {  	[sflag:s20] =	ssyncset.done $0x0  }
0x25: {  	s29 =	sshrl.u32 s10, $0x3;
	[sflag:s20] =	ssyncadd.s32 $0xFFFFF800  }
0x26: {  	[spmem:s29], [sflag:s7] =	dma.local [hbm:s2], $0x800  }
0x27: {  	_ =	swait.ge [sflag:s20], $0x800  }
0x28: {  	[sflag:s20] =	ssyncset.done $0x0  }
0x29: {  	s30 =	sshrl.u32 s11, $0x3;
	[sflag:s20] =	ssyncadd.s32 $0xFFFFF800  }
0x2a: {  	[spmem:s30], [sflag:s7] =	dma.local [hbm:s2], $0x800  }
0x2b: {  	_ =	swait.ge [sflag:s20], $0x800  }
0x2c: {  	[sflag:s20] =	ssyncset.done $0x0  }
0x2d: {  	[sflag:s20] =	ssyncadd.s32 $0xFFFFF800  }
0x2e: {  	s6 =	sadd.s32 $0x0, s19;
	[bflag:$0x0] =	sbarrier.arrive $0xFFFF  }
0x2f: {  	[tilespmem:s5], [sflag:$0x2] =	stream.linear.gather [hbm4b:s6+s5], $0x80, $0x38;
	[tilespmem:$0x18100] =	vst v63  }
0x30: {  	_ =	swait.ge [sflag:s20], $0x80  }
0x31: {  	[sflag:s20] =	ssyncset.done $0x0  }
0x32: {  	s8 =	sadd.s32 $0x0, s18;
	[sflag:s20] =	ssyncadd.s32 $0xFFFFFF80  }
0x33: {  	[tilespmem:s21], [sflag:$0x2] =	stream.linear.gather [hbm4b:s8+s5], $0x80, $0x38;
	[tilespmem:$0x18100] =	vst v63  }
0x34: {  	_ =	swait.ge [sflag:s20], $0x80  }
0x35: {  	[sflag:s20] =	ssyncset.done $0x0  }
0x36: {  	[sflag:s20] =	ssyncadd.s32 $0xFFFFFF80  }
0x37: {  	[tilespmem:s22], [sflag:$0x1] =	stream.indirect.gather [hbm4b:s0+s21], $0x80, s5, s21, $0xb8;
	[tilespmem:$0x18100] =	vst v63  }
0x38: {  	_ =	swait.ge [sflag:s23], $0x4000  }
0x39: {  	[sflag:s23] =	ssyncset.done $0x0  }
0x3a: {  	[sflag:s23] =	ssyncadd.s32 $0xFFFFC000  }
0x3b: {  	[spmem:s4] =	stream.indirect.scatter.add.f32 [tilespmem:s22], [sflag:$0x2], $0x80, s21, s21, $0xb8;
	[tilespmem:$0x18100] =	vst v63  }
0x3c: {  	_ =	swait.ge [sflag:s20], $0x4000  }
0x3d: {  	s31 =	simm.s32 $0x10;
	s1 =	simm.s32 $0x20;
	[sflag:s20] =	ssyncset.done $0x0  }
.LBB2_2:
0x3e: {  	s3 =	sadd.s32 s31, s19  }
0x3f: {  	[sflag:s20] =	ssyncadd.s32 $0xFFFFC000;
	s6 =	smov.u32 s1;
	s8 =	sadd.s32 $0x10, s1  }
0x40: {  	[tilespmem:s5], [sflag:$0x2] =	stream.linear.gather [hbm4b:s3+s5], $0x80, $0x38;
	[tilespmem:$0x18100] =	vst v63  }
0x41: {  	p0 =	sne.s32 s1, $0x4E0;
	_ =	swait.ge [sflag:s20], $0x80  }
0x42: {  	[sflag:s20] =	ssyncset.done $0x0  }
0x43: {  	s1 =	sadd.s32 s31, s18;
	s31 =	smov.u32 s6;
	[sflag:s20] =	ssyncadd.s32 $0xFFFFFF80  }
0x44: {  	[tilespmem:s21], [sflag:$0x2] =	stream.linear.gather [hbm4b:s1+s5], $0x80, $0x38;
	[tilespmem:$0x18100] =	vst v63  }
0x45: {  	_ =	swait.ge [sflag:s20], $0x80  }
0x46: {  	[sflag:s20] =	ssyncset.done $0x0  }
0x47: {  	[sflag:s20] =	ssyncadd.s32 $0xFFFFFF80  }
0x48: {  	[tilespmem:s22], [sflag:$0x1] =	stream.indirect.gather [hbm4b:s0+s21], $0x80, s5, s21, $0xb8;
	[tilespmem:$0x18100] =	vst v63  }
0x49: {  	_ =	swait.ge [sflag:s23], $0x4000  }
.Ltmp0:
0x4a: {  	[sflag:s23] =	ssyncset.done $0x0;
	(pc) =	sbr.rel @p0 .LBB2_2-.Ltmp0, $4  }
0x4b: {  	[sflag:s23] =	ssyncadd.s32 $0xFFFFC000  }
0x4c: {  	[spmem:s4] =	stream.indirect.scatter.add.f32 [tilespmem:s22], [sflag:$0x2], $0x80, s21, s21, $0xb8;
	[tilespmem:$0x18100] =	vst v63  }
0x4d: {  	_ =	swait.ge [sflag:s20], $0x4000  }
0x4e: {  	s1 =	smov.u32 s8;
	[sflag:s20] =	ssyncset.done $0x0  }
0x4f: {  	s1 =	sadd.s32 s31, s19;
	[sflag:s20] =	ssyncadd.s32 $0xFFFFC000  }
0x50: {  	[tilespmem:s5], [sflag:$0x2] =	stream.linear.gather [hbm4b:s1+s5], $0x80, $0x38;
	[tilespmem:$0x18100] =	vst v63  }
0x51: {  	_ =	swait.ge [sflag:s20], $0x80  }
0x52: {  	[sflag:s20] =	ssyncset.done $0x0  }
0x53: {  	s31 =	sadd.s32 s31, s18;
	[sflag:s20] =	ssyncadd.s32 $0xFFFFFF80  }
0x54: {  	[tilespmem:s21], [sflag:$0x2] =	stream.linear.gather [hbm4b:s31+s5], $0x80, $0x38;
	[tilespmem:$0x18100] =	vst v63  }
0x55: {  	_ =	swait.ge [sflag:s20], $0x80  }
0x56: {  	[sflag:s20] =	ssyncset.done $0x0  }
0x57: {  	[sflag:s20] =	ssyncadd.s32 $0xFFFFFF80  }
0x58: {  	[tilespmem:s22], [sflag:$0x1] =	stream.indirect.gather [hbm4b:s0+s21], $0x80, s5, s21, $0xb8;
	[tilespmem:$0x18100] =	vst v63  }
0x59: {  	_ =	swait.ge [sflag:s23], $0x4000  }
0x5a: {  	[sflag:s23] =	ssyncset.done $0x0  }
0x5b: {  	[sflag:s23] =	ssyncadd.s32 $0xFFFFC000  }
0x5c: {  	[spmem:s4] =	stream.indirect.scatter.add.f32 [tilespmem:s22], [sflag:$0x2], $0x80, s21, s21, $0xb8;
	[tilespmem:$0x18100] =	vst v63  }
0x5d: {  	_ =	swait.ge [sflag:s20], $0x4000  }
0x5e: {  	[sflag:s20] =	ssyncset.done $0x0  }
0x5f: {  	[sflag:s20] =	ssyncadd.s32 $0xFFFFC000  }
0x60: {  	[bflag:$0x0] =	sbarrier.arrive $0xFFFF  }
0x61: {  	[hbm:s12], [sflag:s7] =	dma.local [spmem:s25], $0x800  }
0x62: {  	_ =	swait.ge [sflag:s20], $0x800  }
0x63: {  	[sflag:s20] =	ssyncset.done $0x0  }
0x64: {  	[sflag:s20] =	ssyncadd.s32 $0xFFFFF800  }
0x65: {  	[hbm:s13], [sflag:s7] =	dma.local [spmem:s26], $0x800  }
0x66: {  	_ =	swait.ge [sflag:s20], $0x800  }
0x67: {  	[sflag:s20] =	ssyncset.done $0x0  }
0x68: {  	[sflag:s20] =	ssyncadd.s32 $0xFFFFF800  }
0x69: {  	[hbm:s14], [sflag:s7] =	dma.local [spmem:s28], $0x800  }
0x6a: {  	_ =	swait.ge [sflag:s20], $0x800  }
0x6b: {  	[sflag:s20] =	ssyncset.done $0x0  }
0x6c: {  	[sflag:s20] =	ssyncadd.s32 $0xFFFFF800  }
0x6d: {  	[hbm:s15], [sflag:s7] =	dma.local [spmem:s29], $0x800  }
0x6e: {  	s24 =	sadd.s32 $0x1, s24;
	_ =	swait.ge [sflag:s20], $0x800  }
0x6f: {  	p0 =	sne.s32 s24, s17;
	[sflag:s20] =	ssyncset.done $0x0  }
.Ltmp1:
0x70: {  	[sflag:s20] =	ssyncadd.s32 $0xFFFFF800;
	(pc) =	sbr.rel @p0 .LBB2_1-.Ltmp1, $4  }
0x71: {  	[hbm:s16], [sflag:s7] =	dma.local [spmem:s30], $0x800  }
0x72: {  	_ =	swait.ge [sflag:s20], $0x800  }
0x73: {  	[sflag:s20] =	ssyncset.done $0x0  }
0x74: {  	[sflag:s20] =	ssyncadd.s32 $0xFFFFF800  }
0x75: {  	_ =	sfence.sel $0x180000  }
0x76: {  	[bflag:$0x0] =	sbarrier.arrive $0xFFFF  }
0x77: {  	_ =	strace $0x90000047  }
0x78: {  	s0 =	stileid.u32;
	[bflag:$0x2] =	sbarrier.arrive $0xFFFF  }
0x79: {  	p0 =	sne.s32 s0, $0x0;
	s0 =	rddreg [dreg:$0x6]  }
0x7a: {  	s0 =	sadd.s32 @!p0 $0x100000, s0  }
0x7b: {  	[sflag:s0] =	ssyncadd.tile.s32 @!p0 $0x1;
	_ =	shalt  }
.Lfunc_end2:
_tile_overlayer_lowered:
.L_overlay_start_2:
0x7c: {  	(tag) =	ssettag $0x2  }
0x7d: {  	s0 =	rddreg [dreg:$0x0];
	s2 =	stileid.u32  }
0x7e: {  	s1 =	rddreg [dreg:$0x1];
	p0 =	sne.s32 s2, $0x0  }
0x7f: {  	s3 =	rddreg [dreg:$0x2];
	[bflag:$0x3] =	sbarrier.arrive $0xFFFF;
	s2 =	simm.s32 @!p0 $0x1C02  }
0x80: {  	[timem:s3], [sflag:s2] =	dma.local @!p0 [hbm:s0], s1  }
0x81: {  	s0 =	simm.s32 @!p0 $0x2  }
0x82: {  	_ =	swait.ge @!p0 [sflag:s0], s1  }
0x83: {  	s1 =	ssub.s32 @!p0 $0x0, s1;
	[sflag:s0] =	ssyncset.done @!p0 $0x0  }
0x84: {  	[sflag:s0] =	ssyncadd.s32 @!p0 s1  }
0x85: {  	[bflag:$0x3] =	sbarrier.arrive $0xFFFF  }
0x86: {  	_ =	shalt  }

</sc_bundles>
